<compile_context>
chip_gen: v7x
topology: tpu7x:2x2x1
jax: 0.10.2.dev20260603
libtpu: 0.0.44.dev20260713+nightly
codegen_flags: <defaults>
</compile_context>

<pallas_src>
import functools

import jax
import jax.numpy as jnp
from jax import lax
from jax.experimental import pallas as pl
from jax.experimental.pallas import tpu as pltpu
from jax.experimental.pallas import tpu_sc as plsc

_CHUNK = 2688
_FULL_CHUNKS = 372
_PER_WORKER = _FULL_CHUNKS // 4
_PAIRS = _PER_WORKER // 2
_TAIL_OFF = _FULL_CHUNKS * _CHUNK
_TAIL = 1000000 - _TAIL_OFF


def _sc_copy_body(src, dst, vbuf, shared, tail_buf,
                  in_a, in_b, out_a, out_b):
    c = lax.axis_index("c")
    s = lax.axis_index("s")
    wid = s * 2 + c
    band = wid // 4
    q = wid % 4
    rows = pl.ds(band * 8, 8)

    def cols(j):
        return pl.ds((q + 4 * j) * _CHUNK, _CHUNK)

    def step(p, _):
        slot = p % 2

        @pl.when(p < _PAIRS)
        def _():
            @pl.when(p >= 2)
            def _():
                pltpu.make_async_copy(vbuf.at[slot], dst.at[rows, cols(2 * (p - 2))],
                                      out_a.at[slot]).wait()
                pltpu.make_async_copy(shared.at[s, slot], dst.at[rows, cols(2 * (p - 2) + 1)],
                                      out_b.at[slot]).wait()

            pltpu.make_async_copy(src.at[rows, cols(2 * p)], vbuf.at[slot],
                                  in_a.at[slot]).start()
            pltpu.make_async_copy(src.at[rows, cols(2 * p + 1)], shared.at[s, slot],
                                  in_b.at[slot]).start()

        @pl.when(p >= 1)
        def _():
            s1 = (p - 1) % 2
            pltpu.make_async_copy(src.at[rows, cols(2 * (p - 1))], vbuf.at[s1],
                                  in_a.at[s1]).wait()
            pltpu.make_async_copy(vbuf.at[s1], dst.at[rows, cols(2 * (p - 1))],
                                  out_a.at[s1]).start()
            pltpu.make_async_copy(src.at[rows, cols(2 * (p - 1) + 1)], shared.at[s, s1],
                                  in_b.at[s1]).wait()
            pltpu.make_async_copy(shared.at[s, s1], dst.at[rows, cols(2 * (p - 1) + 1)],
                                  out_b.at[s1]).start()

        return _

    lax.fori_loop(0, _PAIRS + 1, step, None)

    def drain(p, _):
        slot = p % 2
        pltpu.make_async_copy(vbuf.at[slot], dst.at[rows, cols(2 * p)],
                              out_a.at[slot]).wait()
        pltpu.make_async_copy(shared.at[s, slot], dst.at[rows, cols(2 * p + 1)],
                              out_b.at[slot]).wait()
        return _

    lax.fori_loop(_PAIRS - 2, _PAIRS, drain, None)

    lcols = cols(_PER_WORKER - 1)
    pltpu.sync_copy(src.at[rows, lcols], vbuf.at[0])
    pltpu.sync_copy(vbuf.at[0], dst.at[rows, lcols])

    @pl.when(q == 0)
    def _():
        tcols = pl.ds(_TAIL_OFF, _TAIL)
        pltpu.sync_copy(src.at[rows, tcols], tail_buf)
        pltpu.sync_copy(tail_buf, dst.at[rows, tcols])


def kernel(inputs, p_emb):
    n, d = p_emb.shape
    t = p_emb.T
    mesh = plsc.VectorSubcoreMesh(core_axis_name="c", subcore_axis_name="s")
    sc_copy = functools.partial(
        pl.kernel,
        mesh=mesh,
        out_type=jax.ShapeDtypeStruct(t.shape, t.dtype),
        scratch_types=[
            pltpu.VMEM((2, 8, _CHUNK), jnp.float32),
            pltpu.VMEM_SHARED((16, 2, 8, _CHUNK), jnp.float32),
            pltpu.VMEM((8, _TAIL), jnp.float32),
            pltpu.SemaphoreType.DMA((2,)),
            pltpu.SemaphoreType.DMA((2,)),
            pltpu.SemaphoreType.DMA((2,)),
            pltpu.SemaphoreType.DMA((2,)),
        ],
    )(_sc_copy_body)
    return sc_copy(t).T

# --- scband reference (transcript-rebuilt; emitter-appended) ---
"""Pipeline reference for scband-patient-embedding-45457933861297 (READ-ONLY COPY).

The authoritative reference and input builder live on the scoring server;
editing this copy changes nothing except your own understanding.
"""

import jax, jax.numpy as jnp
import numpy as np

PATIENT_NUM = 1000000
PATIENT_DIM = 64


def setup_inputs(seed: int = 0) -> dict:
    key = jax.random.key(seed)
    k_inp, k_emb = jax.random.split(key)
    # placeholder input; the original layer's call(inputs=None) ignores it entirely
    inputs = jax.random.randint(k_inp, (1024,), 0, PATIENT_NUM, dtype=jnp.int64)
    # learned parameter: GlorotUniform-initialized embedding table (patient_num, patient_dim)
    limit = float(np.sqrt(6.0 / (PATIENT_NUM + PATIENT_DIM)))
    p_emb = jax.random.uniform(k_emb, (PATIENT_NUM, PATIENT_DIM), minval=-limit, maxval=limit, dtype=jnp.float32)
    return {"inputs": inputs, "p_emb": p_emb}


def reference(inputs, p_emb):
    # Faithful translation: PatientEmbedding.call ignores `inputs` and simply
    # returns the full trainable embedding table.
    return p_emb

if __name__ == "__main__":
    import jax
    _d = setup_inputs()
    print(jax.jit(kernel)(*tuple(_d.values())))

</pallas_src>

<mosaic_0001>
#map = affine_map<(d0, d1) -> (0, 0)>
module attributes {stable_mosaic.version = 14 : i64} {
  func.func @_sc_copy_body(%arg0: i32, %arg1: i32, %arg2: memref<64x1000000xf32, #tpu.memory_space<hbm>>, %arg3: memref<64x1000000xf32, #tpu.memory_space<hbm>>, %arg4: memref<2x8x2688xf32, #tpu.memory_space<vmem>>, %arg5: memref<16x2x8x2688xf32, #tpu.memory_space<vmem_shared>>, %arg6: memref<8x64xf32, #tpu.memory_space<vmem>>, %arg7: memref<2x!tpu.dma_semaphore, #tpu.memory_space<semaphore_mem>>, %arg8: memref<2x!tpu.dma_semaphore, #tpu.memory_space<semaphore_mem>>, %arg9: memref<2x!tpu.dma_semaphore, #tpu.memory_space<semaphore_mem>>, %arg10: memref<2x!tpu.dma_semaphore, #tpu.memory_space<semaphore_mem>>) attributes {dimension_semantics = [#tpu.dimension_semantics<core_parallel>, #tpu.dimension_semantics<subcore_parallel>], iteration_bounds = array<i64: 2, 16>, scalar_prefetch = 0 : i64, scratch_operands = 7 : i64, tpu.core_type = #tpu.core_type<sc_vector_subcore>, window_params = [{transform_indices = #map}, {transform_indices = #map}]} {
    %mul3A = arith.constant 2 : i32
    %mul3A_0 = arith.muli %arg1, %mul3A : i32
    %add3A = arith.addi %mul3A_0, %arg0 : i32
    %jit3A = arith.constant 4 : i32
    %div3A = arith.divsi %add3A, %jit3A : i32
    %sign3A = arith.constant 0 : i32
    %sign3A_1 = arith.cmpi sgt, %add3A, %sign3A : i32
    %sign3A_2 = arith.extui %sign3A_1 : i1 to i32
    %sign3A_3 = arith.constant 0 : i32
    %sign3A_4 = arith.cmpi slt, %add3A, %sign3A_3 : i32
    %sign3A_5 = arith.extui %sign3A_4 : i1 to i32
    %sign3A_6 = arith.subi %sign3A_2, %sign3A_5 : i32
    %sign3A_7 = arith.constant 0 : i32
    %sign3A_8 = arith.cmpi sgt, %jit3A, %sign3A_7 : i32
    %sign3A_9 = arith.extui %sign3A_8 : i1 to i32
    %sign3A_10 = arith.constant 0 : i32
    %sign3A_11 = arith.cmpi slt, %jit3A, %sign3A_10 : i32
    %sign3A_12 = arith.extui %sign3A_11 : i1 to i32
    %sign3A_13 = arith.subi %sign3A_9, %sign3A_12 : i32
    %ne3A = arith.cmpi ne, %sign3A_6, %sign3A_13 : i32
    %rem3A = arith.remsi %add3A, %jit3A : i32
    %ne3A_14 = arith.constant 0 : i32
    %ne3A_15 = arith.cmpi ne, %rem3A, %ne3A_14 : i32
    %and3A = arith.andi %ne3A, %ne3A_15 : i1
    %sub3A = arith.constant 1 : i32
    %sub3A_16 = arith.subi %div3A, %sub3A : i32
    %select_n3A = arith.select %and3A, %sub3A_16, %div3A : i32
    %jit3A_17 = arith.constant 4 : i32
    %eq3A = arith.constant 0 : i32
    %eq3A_18 = arith.cmpi eq, %jit3A_17, %eq3A : i32
    %jit3A_19 = arith.constant 1 : i32
    %select_n3A_20 = arith.select %eq3A_18, %jit3A_19, %jit3A_17 : i32
    %rem3A_21 = arith.remsi %add3A, %select_n3A_20 : i32
    %ne3A_22 = arith.constant 0 : i32
    %ne3A_23 = arith.cmpi ne, %rem3A_21, %ne3A_22 : i32
    %lt3A = arith.constant 0 : i32
    %lt3A_24 = arith.cmpi slt, %rem3A_21, %lt3A : i32
    %lt3A_25 = arith.constant 0 : i32
    %lt3A_26 = arith.cmpi slt, %select_n3A_20, %lt3A_25 : i32
    %ne3A_27 = arith.xori %lt3A_24, %lt3A_26 : i1
    %and3A_28 = arith.andi %ne3A_27, %ne3A_23 : i1
    %add3A_29 = arith.addi %rem3A_21, %select_n3A_20 : i32
    %select_n3A_30 = arith.select %and3A_28, %add3A_29, %rem3A_21 : i32
    %mul3A_31 = arith.constant 8 : i32
    %mul3A_32 = arith.muli %select_n3A, %mul3A_31 : i32
    %scan3A = arith.constant 0 : i32
    %scan3A_33 = arith.constant 47 : i32
    %scan3A_34 = arith.addi %scan3A, %scan3A_33 : i32
    %scan3A_35 = arith.constant 1 : i32
    scf.for %scan3A_50 = %scan3A to %scan3A_34 step %scan3A_35  : i32 {
      %jit3A_51 = arith.constant 2 : i32
      %eq3A_52 = arith.constant 0 : i32
      %eq3A_53 = arith.cmpi eq, %jit3A_51, %eq3A_52 : i32
      %jit3A_54 = arith.constant 1 : i32
      %select_n3A_55 = arith.select %eq3A_53, %jit3A_54, %jit3A_51 : i32
      %rem3A_56 = arith.remsi %scan3A_50, %select_n3A_55 : i32
      %ne3A_57 = arith.constant 0 : i32
      %ne3A_58 = arith.cmpi ne, %rem3A_56, %ne3A_57 : i32
      %lt3A_59 = arith.constant 0 : i32
      %lt3A_60 = arith.cmpi slt, %rem3A_56, %lt3A_59 : i32
      %lt3A_61 = arith.constant 0 : i32
      %lt3A_62 = arith.cmpi slt, %select_n3A_55, %lt3A_61 : i32
      %ne3A_63 = arith.xori %lt3A_60, %lt3A_62 : i1
      %and3A_64 = arith.andi %ne3A_63, %ne3A_58 : i1
      %add3A_65 = arith.addi %rem3A_56, %select_n3A_55 : i32
      %select_n3A_66 = arith.select %and3A_64, %add3A_65, %rem3A_56 : i32
      %lt3A_67 = arith.constant 46 : i32
      %lt3A_68 = arith.cmpi slt, %scan3A_50, %lt3A_67 : i32
      %convert_element_type3A_69 = arith.extui %lt3A_68 : i1 to i32
      %cond3A_70 = arith.constant 0 : i32
      %cond3A_71 = arith.cmpi ne, %convert_element_type3A_69, %cond3A_70 : i32
      scf.if %cond3A_71 {
        %ge3A_76 = arith.constant 2 : i32
        %ge3A_77 = arith.cmpi sge, %scan3A_50, %ge3A_76 : i32
        %convert_element_type3A_78 = arith.extui %ge3A_77 : i1 to i32
        %cond3A_79 = arith.constant 0 : i32
        %cond3A_80 = arith.cmpi ne, %convert_element_type3A_78, %cond3A_79 : i32
        scf.if %cond3A_80 {
          %sub3A_115 = arith.constant 2 : i32
          %sub3A_116 = arith.subi %scan3A_50, %sub3A_115 : i32
          %mul3A_117 = arith.constant 2 : i32
          %mul3A_118 = arith.muli %mul3A_117, %sub3A_116 : i32
          %mul3A_119 = arith.constant 4 : i32
          %mul3A_120 = arith.muli %mul3A_119, %mul3A_118 : i32
          %add3A_121 = arith.addi %select_n3A_30, %mul3A_120 : i32
          %mul3A_122 = arith.constant 2688 : i32
          %mul3A_123 = arith.muli %add3A_121, %mul3A_122 : i32
          %dma_wait3A = arith.constant 0 : i32
          %dma_wait3A_124 = arith.constant 0 : i32
          %dma_wait3A_125 = tpu.memref_slice %arg4[%select_n3A_66, %dma_wait3A, %dma_wait3A_124] : memref<2x8x2688xf32, #tpu.memory_space<vmem>> -> memref<1x8x2688xf32, #tpu.memory_space<vmem>>
          %dma_wait3A_126 = tpu.memref_squeeze %dma_wait3A_125 : memref<1x8x2688xf32, #tpu.memory_space<vmem>> -> memref<8x2688xf32, #tpu.memory_space<vmem>>
          %dma_wait3A_127 = tpu.memref_slice %arg3[%mul3A_32, %mul3A_123] : memref<64x1000000xf32, #tpu.memory_space<hbm>> -> memref<8x2688xf32, #tpu.memory_space<hbm>>
          %dma_wait3A_128 = tpu.memref_slice %arg9[%select_n3A_66] : memref<2x!tpu.dma_semaphore, #tpu.memory_space<semaphore_mem>> -> memref<1x!tpu.dma_semaphore, #tpu.memory_space<semaphore_mem>>
          %dma_wait3A_129 = tpu.memref_squeeze %dma_wait3A_128 : memref<1x!tpu.dma_semaphore, #tpu.memory_space<semaphore_mem>> -> memref<!tpu.dma_semaphore, #tpu.memory_space<semaphore_mem>>
          %dma_wait3A_130 = tpu.memref_slice %arg3[%mul3A_32, %mul3A_123] : memref<64x1000000xf32, #tpu.memory_space<hbm>> -> memref<8x2688xf32, #tpu.memory_space<hbm>>
          %dma_wait3A_131 = arith.constant 0 : i32
          %dma_wait3A_132 = arith.constant 0 : i32
          %dma_wait3A_133 = tpu.memref_slice %arg4[%select_n3A_66, %dma_wait3A_131, %dma_wait3A_132] : memref<2x8x2688xf32, #tpu.memory_space<vmem>> -> memref<1x8x2688xf32, #tpu.memory_space<vmem>>
          %dma_wait3A_134 = tpu.memref_squeeze %dma_wait3A_133 : memref<1x8x2688xf32, #tpu.memory_space<vmem>> -> memref<8x2688xf32, #tpu.memory_space<vmem>>
          tpu.wait_dma2 semaphore(%dma_wait3A_129 : memref<!tpu.dma_semaphore, #tpu.memory_space<semaphore_mem>>) src(%dma_wait3A_134 : memref<8x2688xf32, #tpu.memory_space<vmem>>) dst(%dma_wait3A_130 : memref<8x2688xf32, #tpu.memory_space<hbm>>)
          %sub3A_135 = arith.constant 2 : i32
          %sub3A_136 = arith.subi %scan3A_50, %sub3A_135 : i32
          %mul3A_137 = arith.constant 2 : i32
          %mul3A_138 = arith.muli %mul3A_137, %sub3A_136 : i32
          %add3A_139 = arith.constant 1 : i32
          %add3A_140 = arith.addi %mul3A_138, %add3A_139 : i32
          %mul3A_141 = arith.constant 4 : i32
          %mul3A_142 = arith.muli %mul3A_141, %add3A_140 : i32
          %add3A_143 = arith.addi %select_n3A_30, %mul3A_142 : i32
          %mul3A_144 = arith.constant 2688 : i32
          %mul3A_145 = arith.muli %add3A_143, %mul3A_144 : i32
          %dma_wait3A_146 = tpu.memref_slice %arg10[%select_n3A_66] : memref<2x!tpu.dma_semaphore, #tpu.memory_space<semaphore_mem>> -> memref<1x!tpu.dma_semaphore, #tpu.memory_space<semaphore_mem>>
          %dma_wait3A_147 = tpu.memref_squeeze %dma_wait3A_146 : memref<1x!tpu.dma_semaphore, #tpu.memory_space<semaphore_mem>> -> memref<!tpu.dma_semaphore, #tpu.memory_space<semaphore_mem>>
          %dma_wait3A_148 = tpu.memref_slice %arg3[%mul3A_32, %mul3A_145] : memref<64x1000000xf32, #tpu.memory_space<hbm>> -> memref<8x2688xf32, #tpu.memory_space<hbm>>
          %dma_wait3A_149 = arith.constant 0 : i32
          %dma_wait3A_150 = arith.constant 0 : i32
          %dma_wait3A_151 = tpu.memref_slice %arg5[%arg1, %select_n3A_66, %dma_wait3A_149, %dma_wait3A_150] : memref<16x2x8x2688xf32, #tpu.memory_space<vmem_shared>> -> memref<1x1x8x2688xf32, #tpu.memory_space<vmem_shared>>
          %dma_wait3A_152 = tpu.memref_squeeze %dma_wait3A_151 : memref<1x1x8x2688xf32, #tpu.memory_space<vmem_shared>> -> memref<8x2688xf32, #tpu.memory_space<vmem_shared>>
          tpu.wait_dma2 semaphore(%dma_wait3A_147 : memref<!tpu.dma_semaphore, #tpu.memory_space<semaphore_mem>>) src(%dma_wait3A_152 : memref<8x2688xf32, #tpu.memory_space<vmem_shared>>) dst(%dma_wait3A_148 : memref<8x2688xf32, #tpu.memory_space<hbm>>)
        } else {
        }
        %mul3A_81 = arith.constant 2 : i32
        %mul3A_82 = arith.muli %mul3A_81, %scan3A_50 : i32
        %mul3A_83 = arith.constant 4 : i32
        %mul3A_84 = arith.muli %mul3A_83, %mul3A_82 : i32
        %add3A_85 = arith.addi %select_n3A_30, %mul3A_84 : i32
        %mul3A_86 = arith.constant 2688 : i32
        %mul3A_87 = arith.muli %add3A_85, %mul3A_86 : i32
        %dma_start3A = arith.constant 0 : i32
        %dma_start3A_88 = arith.constant 0 : i32
        %dma_start3A_89 = tpu.memref_slice %arg4[%select_n3A_66, %dma_start3A, %dma_start3A_88] : memref<2x8x2688xf32, #tpu.memory_space<vmem>> -> memref<1x8x2688xf32, #tpu.memory_space<vmem>>
        %dma_start3A_90 = tpu.memref_squeeze %dma_start3A_89 : memref<1x8x2688xf32, #tpu.memory_space<vmem>> -> memref<8x2688xf32, #tpu.memory_space<vmem>>
        %dma_start3A_91 = tpu.memref_slice %arg2[%mul3A_32, %mul3A_87] : memref<64x1000000xf32, #tpu.memory_space<hbm>> -> memref<8x2688xf32, #tpu.memory_space<hbm>>
        %dma_start3A_92 = tpu.memref_slice %arg7[%select_n3A_66] : memref<2x!tpu.dma_semaphore, #tpu.memory_space<semaphore_mem>> -> memref<1x!tpu.dma_semaphore, #tpu.memory_space<semaphore_mem>>
        %dma_start3A_93 = tpu.memref_squeeze %dma_start3A_92 : memref<1x!tpu.dma_semaphore, #tpu.memory_space<semaphore_mem>> -> memref<!tpu.dma_semaphore, #tpu.memory_space<semaphore_mem>>
        %dma_start3A_94 = arith.constant 0 : i32
        %dma_start3A_95 = arith.constant 0 : i32
        %dma_start3A_96 = tpu.memref_slice %arg4[%select_n3A_66, %dma_start3A_94, %dma_start3A_95] : memref<2x8x2688xf32, #tpu.memory_space<vmem>> -> memref<1x8x2688xf32, #tpu.memory_space<vmem>>
        %dma_start3A_97 = tpu.memref_squeeze %dma_start3A_96 : memref<1x8x2688xf32, #tpu.memory_space<vmem>> -> memref<8x2688xf32, #tpu.memory_space<vmem>>
        %dma_start3A_98 = tpu.memref_slice %arg2[%mul3A_32, %mul3A_87] : memref<64x1000000xf32, #tpu.memory_space<hbm>> -> memref<8x2688xf32, #tpu.memory_space<hbm>>
        tpu.enqueue_dma source(%dma_start3A_98 : memref<8x2688xf32, #tpu.memory_space<hbm>>) target(%dma_start3A_97 : memref<8x2688xf32, #tpu.memory_space<vmem>>) target_semaphore(%dma_start3A_93 : memref<!tpu.dma_semaphore, #tpu.memory_space<semaphore_mem>>)
        %mul3A_99 = arith.constant 2 : i32
        %mul3A_100 = arith.muli %mul3A_99, %scan3A_50 : i32
        %add3A_101 = arith.constant 1 : i32
        %add3A_102 = arith.addi %mul3A_100, %add3A_101 : i32
        %mul3A_103 = arith.constant 4 : i32
        %mul3A_104 = arith.muli %mul3A_103, %add3A_102 : i32
        %add3A_105 = arith.addi %select_n3A_30, %mul3A_104 : i32
        %mul3A_106 = arith.constant 2688 : i32
        %mul3A_107 = arith.muli %add3A_105, %mul3A_106 : i32
        %dma_start3A_108 = tpu.memref_slice %arg8[%select_n3A_66] : memref<2x!tpu.dma_semaphore, #tpu.memory_space<semaphore_mem>> -> memref<1x!tpu.dma_semaphore, #tpu.memory_space<semaphore_mem>>
        %dma_start3A_109 = tpu.memref_squeeze %dma_start3A_108 : memref<1x!tpu.dma_semaphore, #tpu.memory_space<semaphore_mem>> -> memref<!tpu.dma_semaphore, #tpu.memory_space<semaphore_mem>>
        %dma_start3A_110 = arith.constant 0 : i32
        %dma_start3A_111 = arith.constant 0 : i32
        %dma_start3A_112 = tpu.memref_slice %arg5[%arg1, %select_n3A_66, %dma_start3A_110, %dma_start3A_111] : memref<16x2x8x2688xf32, #tpu.memory_space<vmem_shared>> -> memref<1x1x8x2688xf32, #tpu.memory_space<vmem_shared>>
        %dma_start3A_113 = tpu.memref_squeeze %dma_start3A_112 : memref<1x1x8x2688xf32, #tpu.memory_space<vmem_shared>> -> memref<8x2688xf32, #tpu.memory_space<vmem_shared>>
        %dma_start3A_114 = tpu.memref_slice %arg2[%mul3A_32, %mul3A_107] : memref<64x1000000xf32, #tpu.memory_space<hbm>> -> memref<8x2688xf32, #tpu.memory_space<hbm>>
        tpu.enqueue_dma source(%dma_start3A_114 : memref<8x2688xf32, #tpu.memory_space<hbm>>) target(%dma_start3A_113 : memref<8x2688xf32, #tpu.memory_space<vmem_shared>>) target_semaphore(%dma_start3A_109 : memref<!tpu.dma_semaphore, #tpu.memory_space<semaphore_mem>>)
      } else {
      }
      %ge3A = arith.constant 1 : i32
      %ge3A_72 = arith.cmpi sge, %scan3A_50, %ge3A : i32
      %convert_element_type3A_73 = arith.extui %ge3A_72 : i1 to i32
      %cond3A_74 = arith.constant 0 : i32
      %cond3A_75 = arith.cmpi ne, %convert_element_type3A_73, %cond3A_74 : i32
      scf.if %cond3A_75 {
        %sub3A_76 = arith.constant 1 : i32
        %sub3A_77 = arith.subi %scan3A_50, %sub3A_76 : i32
        %jit3A_78 = arith.constant 2 : i32
        %eq3A_79 = arith.constant 0 : i32
        %eq3A_80 = arith.cmpi eq, %jit3A_78, %eq3A_79 : i32
        %jit3A_81 = arith.constant 1 : i32
        %select_n3A_82 = arith.select %eq3A_80, %jit3A_81, %jit3A_78 : i32
        %rem3A_83 = arith.remsi %sub3A_77, %select_n3A_82 : i32
        %ne3A_84 = arith.constant 0 : i32
        %ne3A_85 = arith.cmpi ne, %rem3A_83, %ne3A_84 : i32
        %lt3A_86 = arith.constant 0 : i32
        %lt3A_87 = arith.cmpi slt, %rem3A_83, %lt3A_86 : i32
        %lt3A_88 = arith.constant 0 : i32
        %lt3A_89 = arith.cmpi slt, %select_n3A_82, %lt3A_88 : i32
        %ne3A_90 = arith.xori %lt3A_87, %lt3A_89 : i1
        %and3A_91 = arith.andi %ne3A_90, %ne3A_85 : i1
        %add3A_92 = arith.addi %rem3A_83, %select_n3A_82 : i32
        %select_n3A_93 = arith.select %and3A_91, %add3A_92, %rem3A_83 : i32
        %sub3A_94 = arith.constant 1 : i32
        %sub3A_95 = arith.subi %scan3A_50, %sub3A_94 : i32
        %mul3A_96 = arith.constant 2 : i32
        %mul3A_97 = arith.muli %mul3A_96, %sub3A_95 : i32
        %mul3A_98 = arith.constant 4 : i32
        %mul3A_99 = arith.muli %mul3A_98, %mul3A_97 : i32
        %add3A_100 = arith.addi %select_n3A_30, %mul3A_99 : i32
        %mul3A_101 = arith.constant 2688 : i32
        %mul3A_102 = arith.muli %add3A_100, %mul3A_101 : i32
        %dma_wait3A = arith.constant 0 : i32
        %dma_wait3A_103 = arith.constant 0 : i32
        %dma_wait3A_104 = tpu.memref_slice %arg4[%select_n3A_93, %dma_wait3A, %dma_wait3A_103] : memref<2x8x2688xf32, #tpu.memory_space<vmem>> -> memref<1x8x2688xf32, #tpu.memory_space<vmem>>
        %dma_wait3A_105 = tpu.memref_squeeze %dma_wait3A_104 : memref<1x8x2688xf32, #tpu.memory_space<vmem>> -> memref<8x2688xf32, #tpu.memory_space<vmem>>
        %dma_wait3A_106 = tpu.memref_slice %arg2[%mul3A_32, %mul3A_102] : memref<64x1000000xf32, #tpu.memory_space<hbm>> -> memref<8x2688xf32, #tpu.memory_space<hbm>>
        %dma_wait3A_107 = tpu.memref_slice %arg7[%select_n3A_93] : memref<2x!tpu.dma_semaphore, #tpu.memory_space<semaphore_mem>> -> memref<1x!tpu.dma_semaphore, #tpu.memory_space<semaphore_mem>>
        %dma_wait3A_108 = tpu.memref_squeeze %dma_wait3A_107 : memref<1x!tpu.dma_semaphore, #tpu.memory_space<semaphore_mem>> -> memref<!tpu.dma_semaphore, #tpu.memory_space<semaphore_mem>>
        %dma_wait3A_109 = arith.constant 0 : i32
        %dma_wait3A_110 = arith.constant 0 : i32
        %dma_wait3A_111 = tpu.memref_slice %arg4[%select_n3A_93, %dma_wait3A_109, %dma_wait3A_110] : memref<2x8x2688xf32, #tpu.memory_space<vmem>> -> memref<1x8x2688xf32, #tpu.memory_space<vmem>>
        %dma_wait3A_112 = tpu.memref_squeeze %dma_wait3A_111 : memref<1x8x2688xf32, #tpu.memory_space<vmem>> -> memref<8x2688xf32, #tpu.memory_space<vmem>>
        %dma_wait3A_113 = tpu.memref_slice %arg2[%mul3A_32, %mul3A_102] : memref<64x1000000xf32, #tpu.memory_space<hbm>> -> memref<8x2688xf32, #tpu.memory_space<hbm>>
        tpu.wait_dma2 semaphore(%dma_wait3A_108 : memref<!tpu.dma_semaphore, #tpu.memory_space<semaphore_mem>>) src(%dma_wait3A_113 : memref<8x2688xf32, #tpu.memory_space<hbm>>) dst(%dma_wait3A_112 : memref<8x2688xf32, #tpu.memory_space<vmem>>)
        %sub3A_114 = arith.constant 1 : i32
        %sub3A_115 = arith.subi %scan3A_50, %sub3A_114 : i32
        %mul3A_116 = arith.constant 2 : i32
        %mul3A_117 = arith.muli %mul3A_116, %sub3A_115 : i32
        %mul3A_118 = arith.constant 4 : i32
        %mul3A_119 = arith.muli %mul3A_118, %mul3A_117 : i32
        %add3A_120 = arith.addi %select_n3A_30, %mul3A_119 : i32
        %mul3A_121 = arith.constant 2688 : i32
        %mul3A_122 = arith.muli %add3A_120, %mul3A_121 : i32
        %dma_start3A = arith.constant 0 : i32
        %dma_start3A_123 = arith.constant 0 : i32
        %dma_start3A_124 = tpu.memref_slice %arg4[%select_n3A_93, %dma_start3A, %dma_start3A_123] : memref<2x8x2688xf32, #tpu.memory_space<vmem>> -> memref<1x8x2688xf32, #tpu.memory_space<vmem>>
        %dma_start3A_125 = tpu.memref_squeeze %dma_start3A_124 : memref<1x8x2688xf32, #tpu.memory_space<vmem>> -> memref<8x2688xf32, #tpu.memory_space<vmem>>
        %dma_start3A_126 = tpu.memref_slice %arg3[%mul3A_32, %mul3A_122] : memref<64x1000000xf32, #tpu.memory_space<hbm>> -> memref<8x2688xf32, #tpu.memory_space<hbm>>
        %dma_start3A_127 = tpu.memref_slice %arg9[%select_n3A_93] : memref<2x!tpu.dma_semaphore, #tpu.memory_space<semaphore_mem>> -> memref<1x!tpu.dma_semaphore, #tpu.memory_space<semaphore_mem>>
        %dma_start3A_128 = tpu.memref_squeeze %dma_start3A_127 : memref<1x!tpu.dma_semaphore, #tpu.memory_space<semaphore_mem>> -> memref<!tpu.dma_semaphore, #tpu.memory_space<semaphore_mem>>
        %dma_start3A_129 = tpu.memref_slice %arg3[%mul3A_32, %mul3A_122] : memref<64x1000000xf32, #tpu.memory_space<hbm>> -> memref<8x2688xf32, #tpu.memory_space<hbm>>
        %dma_start3A_130 = arith.constant 0 : i32
        %dma_start3A_131 = arith.constant 0 : i32
        %dma_start3A_132 = tpu.memref_slice %arg4[%select_n3A_93, %dma_start3A_130, %dma_start3A_131] : memref<2x8x2688xf32, #tpu.memory_space<vmem>> -> memref<1x8x2688xf32, #tpu.memory_space<vmem>>
        %dma_start3A_133 = tpu.memref_squeeze %dma_start3A_132 : memref<1x8x2688xf32, #tpu.memory_space<vmem>> -> memref<8x2688xf32, #tpu.memory_space<vmem>>
        tpu.enqueue_dma source(%dma_start3A_133 : memref<8x2688xf32, #tpu.memory_space<vmem>>) target(%dma_start3A_129 : memref<8x2688xf32, #tpu.memory_space<hbm>>) target_semaphore(%dma_start3A_128 : memref<!tpu.dma_semaphore, #tpu.memory_space<semaphore_mem>>)
        %sub3A_134 = arith.constant 1 : i32
        %sub3A_135 = arith.subi %scan3A_50, %sub3A_134 : i32
        %mul3A_136 = arith.constant 2 : i32
        %mul3A_137 = arith.muli %mul3A_136, %sub3A_135 : i32
        %add3A_138 = arith.constant 1 : i32
        %add3A_139 = arith.addi %mul3A_137, %add3A_138 : i32
        %mul3A_140 = arith.constant 4 : i32
        %mul3A_141 = arith.muli %mul3A_140, %add3A_139 : i32
        %add3A_142 = arith.addi %select_n3A_30, %mul3A_141 : i32
        %mul3A_143 = arith.constant 2688 : i32
        %mul3A_144 = arith.muli %add3A_142, %mul3A_143 : i32
        %dma_wait3A_145 = tpu.memref_slice %arg8[%select_n3A_93] : memref<2x!tpu.dma_semaphore, #tpu.memory_space<semaphore_mem>> -> memref<1x!tpu.dma_semaphore, #tpu.memory_space<semaphore_mem>>
        %dma_wait3A_146 = tpu.memref_squeeze %dma_wait3A_145 : memref<1x!tpu.dma_semaphore, #tpu.memory_space<semaphore_mem>> -> memref<!tpu.dma_semaphore, #tpu.memory_space<semaphore_mem>>
        %dma_wait3A_147 = arith.constant 0 : i32
        %dma_wait3A_148 = arith.constant 0 : i32
        %dma_wait3A_149 = tpu.memref_slice %arg5[%arg1, %select_n3A_93, %dma_wait3A_147, %dma_wait3A_148] : memref<16x2x8x2688xf32, #tpu.memory_space<vmem_shared>> -> memref<1x1x8x2688xf32, #tpu.memory_space<vmem_shared>>
        %dma_wait3A_150 = tpu.memref_squeeze %dma_wait3A_149 : memref<1x1x8x2688xf32, #tpu.memory_space<vmem_shared>> -> memref<8x2688xf32, #tpu.memory_space<vmem_shared>>
        %dma_wait3A_151 = tpu.memref_slice %arg2[%mul3A_32, %mul3A_144] : memref<64x1000000xf32, #tpu.memory_space<hbm>> -> memref<8x2688xf32, #tpu.memory_space<hbm>>
        tpu.wait_dma2 semaphore(%dma_wait3A_146 : memref<!tpu.dma_semaphore, #tpu.memory_space<semaphore_mem>>) src(%dma_wait3A_151 : memref<8x2688xf32, #tpu.memory_space<hbm>>) dst(%dma_wait3A_150 : memref<8x2688xf32, #tpu.memory_space<vmem_shared>>)
        %sub3A_152 = arith.constant 1 : i32
        %sub3A_153 = arith.subi %scan3A_50, %sub3A_152 : i32
        %mul3A_154 = arith.constant 2 : i32
        %mul3A_155 = arith.muli %mul3A_154, %sub3A_153 : i32
        %add3A_156 = arith.constant 1 : i32
        %add3A_157 = arith.addi %mul3A_155, %add3A_156 : i32
        %mul3A_158 = arith.constant 4 : i32
        %mul3A_159 = arith.muli %mul3A_158, %add3A_157 : i32
        %add3A_160 = arith.addi %select_n3A_30, %mul3A_159 : i32
        %mul3A_161 = arith.constant 2688 : i32
        %mul3A_162 = arith.muli %add3A_160, %mul3A_161 : i32
        %dma_start3A_163 = tpu.memref_slice %arg10[%select_n3A_93] : memref<2x!tpu.dma_semaphore, #tpu.memory_space<semaphore_mem>> -> memref<1x!tpu.dma_semaphore, #tpu.memory_space<semaphore_mem>>
        %dma_start3A_164 = tpu.memref_squeeze %dma_start3A_163 : memref<1x!tpu.dma_semaphore, #tpu.memory_space<semaphore_mem>> -> memref<!tpu.dma_semaphore, #tpu.memory_space<semaphore_mem>>
        %dma_start3A_165 = tpu.memref_slice %arg3[%mul3A_32, %mul3A_162] : memref<64x1000000xf32, #tpu.memory_space<hbm>> -> memref<8x2688xf32, #tpu.memory_space<hbm>>
        %dma_start3A_166 = arith.constant 0 : i32
        %dma_start3A_167 = arith.constant 0 : i32
        %dma_start3A_168 = tpu.memref_slice %arg5[%arg1, %select_n3A_93, %dma_start3A_166, %dma_start3A_167] : memref<16x2x8x2688xf32, #tpu.memory_space<vmem_shared>> -> memref<1x1x8x2688xf32, #tpu.memory_space<vmem_shared>>
        %dma_start3A_169 = tpu.memref_squeeze %dma_start3A_168 : memref<1x1x8x2688xf32, #tpu.memory_space<vmem_shared>> -> memref<8x2688xf32, #tpu.memory_space<vmem_shared>>
        tpu.enqueue_dma source(%dma_start3A_169 : memref<8x2688xf32, #tpu.memory_space<vmem_shared>>) target(%dma_start3A_165 : memref<8x2688xf32, #tpu.memory_space<hbm>>) target_semaphore(%dma_start3A_164 : memref<!tpu.dma_semaphore, #tpu.memory_space<semaphore_mem>>)
      } else {
      }
    }
    %scan3A_36 = arith.constant 47 : i32
    %scan3A_37 = arith.constant 44 : i32
    %scan3A_38 = arith.constant 2 : i32
    %scan3A_39 = arith.addi %scan3A_37, %scan3A_38 : i32
    %scan3A_40 = arith.constant 1 : i32
    scf.for %scan3A_50 = %scan3A_37 to %scan3A_39 step %scan3A_40  : i32 {
      %jit3A_51 = arith.constant 2 : i32
      %eq3A_52 = arith.constant 0 : i32
      %eq3A_53 = arith.cmpi eq, %jit3A_51, %eq3A_52 : i32
      %jit3A_54 = arith.constant 1 : i32
      %select_n3A_55 = arith.select %eq3A_53, %jit3A_54, %jit3A_51 : i32
      %rem3A_56 = arith.remsi %scan3A_50, %select_n3A_55 : i32
      %ne3A_57 = arith.constant 0 : i32
      %ne3A_58 = arith.cmpi ne, %rem3A_56, %ne3A_57 : i32
      %lt3A_59 = arith.constant 0 : i32
      %lt3A_60 = arith.cmpi slt, %rem3A_56, %lt3A_59 : i32
      %lt3A_61 = arith.constant 0 : i32
      %lt3A_62 = arith.cmpi slt, %select_n3A_55, %lt3A_61 : i32
      %ne3A_63 = arith.xori %lt3A_60, %lt3A_62 : i1
      %and3A_64 = arith.andi %ne3A_63, %ne3A_58 : i1
      %add3A_65 = arith.addi %rem3A_56, %select_n3A_55 : i32
      %select_n3A_66 = arith.select %and3A_64, %add3A_65, %rem3A_56 : i32
      %mul3A_67 = arith.constant 2 : i32
      %mul3A_68 = arith.muli %mul3A_67, %scan3A_50 : i32
      %mul3A_69 = arith.constant 4 : i32
      %mul3A_70 = arith.muli %mul3A_69, %mul3A_68 : i32
      %add3A_71 = arith.addi %select_n3A_30, %mul3A_70 : i32
      %mul3A_72 = arith.constant 2688 : i32
      %mul3A_73 = arith.muli %add3A_71, %mul3A_72 : i32
      %dma_wait3A = arith.constant 0 : i32
      %dma_wait3A_74 = arith.constant 0 : i32
      %dma_wait3A_75 = tpu.memref_slice %arg4[%select_n3A_66, %dma_wait3A, %dma_wait3A_74] : memref<2x8x2688xf32, #tpu.memory_space<vmem>> -> memref<1x8x2688xf32, #tpu.memory_space<vmem>>
      %dma_wait3A_76 = tpu.memref_squeeze %dma_wait3A_75 : memref<1x8x2688xf32, #tpu.memory_space<vmem>> -> memref<8x2688xf32, #tpu.memory_space<vmem>>
      %dma_wait3A_77 = tpu.memref_slice %arg3[%mul3A_32, %mul3A_73] : memref<64x1000000xf32, #tpu.memory_space<hbm>> -> memref<8x2688xf32, #tpu.memory_space<hbm>>
      %dma_wait3A_78 = tpu.memref_slice %arg9[%select_n3A_66] : memref<2x!tpu.dma_semaphore, #tpu.memory_space<semaphore_mem>> -> memref<1x!tpu.dma_semaphore, #tpu.memory_space<semaphore_mem>>
      %dma_wait3A_79 = tpu.memref_squeeze %dma_wait3A_78 : memref<1x!tpu.dma_semaphore, #tpu.memory_space<semaphore_mem>> -> memref<!tpu.dma_semaphore, #tpu.memory_space<semaphore_mem>>
      %dma_wait3A_80 = tpu.memref_slice %arg3[%mul3A_32, %mul3A_73] : memref<64x1000000xf32, #tpu.memory_space<hbm>> -> memref<8x2688xf32, #tpu.memory_space<hbm>>
      %dma_wait3A_81 = arith.constant 0 : i32
      %dma_wait3A_82 = arith.constant 0 : i32
      %dma_wait3A_83 = tpu.memref_slice %arg4[%select_n3A_66, %dma_wait3A_81, %dma_wait3A_82] : memref<2x8x2688xf32, #tpu.memory_space<vmem>> -> memref<1x8x2688xf32, #tpu.memory_space<vmem>>
      %dma_wait3A_84 = tpu.memref_squeeze %dma_wait3A_83 : memref<1x8x2688xf32, #tpu.memory_space<vmem>> -> memref<8x2688xf32, #tpu.memory_space<vmem>>
      tpu.wait_dma2 semaphore(%dma_wait3A_79 : memref<!tpu.dma_semaphore, #tpu.memory_space<semaphore_mem>>) src(%dma_wait3A_84 : memref<8x2688xf32, #tpu.memory_space<vmem>>) dst(%dma_wait3A_80 : memref<8x2688xf32, #tpu.memory_space<hbm>>)
      %mul3A_85 = arith.constant 2 : i32
      %mul3A_86 = arith.muli %mul3A_85, %scan3A_50 : i32
      %add3A_87 = arith.constant 1 : i32
      %add3A_88 = arith.addi %mul3A_86, %add3A_87 : i32
      %mul3A_89 = arith.constant 4 : i32
      %mul3A_90 = arith.muli %mul3A_89, %add3A_88 : i32
      %add3A_91 = arith.addi %select_n3A_30, %mul3A_90 : i32
      %mul3A_92 = arith.constant 2688 : i32
      %mul3A_93 = arith.muli %add3A_91, %mul3A_92 : i32
      %dma_wait3A_94 = tpu.memref_slice %arg10[%select_n3A_66] : memref<2x!tpu.dma_semaphore, #tpu.memory_space<semaphore_mem>> -> memref<1x!tpu.dma_semaphore, #tpu.memory_space<semaphore_mem>>
      %dma_wait3A_95 = tpu.memref_squeeze %dma_wait3A_94 : memref<1x!tpu.dma_semaphore, #tpu.memory_space<semaphore_mem>> -> memref<!tpu.dma_semaphore, #tpu.memory_space<semaphore_mem>>
      %dma_wait3A_96 = tpu.memref_slice %arg3[%mul3A_32, %mul3A_93] : memref<64x1000000xf32, #tpu.memory_space<hbm>> -> memref<8x2688xf32, #tpu.memory_space<hbm>>
      %dma_wait3A_97 = arith.constant 0 : i32
      %dma_wait3A_98 = arith.constant 0 : i32
      %dma_wait3A_99 = tpu.memref_slice %arg5[%arg1, %select_n3A_66, %dma_wait3A_97, %dma_wait3A_98] : memref<16x2x8x2688xf32, #tpu.memory_space<vmem_shared>> -> memref<1x1x8x2688xf32, #tpu.memory_space<vmem_shared>>
      %dma_wait3A_100 = tpu.memref_squeeze %dma_wait3A_99 : memref<1x1x8x2688xf32, #tpu.memory_space<vmem_shared>> -> memref<8x2688xf32, #tpu.memory_space<vmem_shared>>
      tpu.wait_dma2 semaphore(%dma_wait3A_95 : memref<!tpu.dma_semaphore, #tpu.memory_space<semaphore_mem>>) src(%dma_wait3A_100 : memref<8x2688xf32, #tpu.memory_space<vmem_shared>>) dst(%dma_wait3A_96 : memref<8x2688xf32, #tpu.memory_space<hbm>>)
    }
    %scan3A_41 = arith.constant 2 : i32
    %add3A_42 = arith.constant 368 : i32
    %add3A_43 = arith.addi %select_n3A_30, %add3A_42 : i32
    %mul3A_44 = arith.constant 2688 : i32
    %mul3A_45 = arith.muli %add3A_43, %mul3A_44 : i32
    %run_scoped3A = arith.constant 0 : i32
    "tpu.region"() ({
      %run_scoped3A_50 = tpu.sem_alloc : memref<!tpu.dma_semaphore, #tpu.memory_space<semaphore_mem>>
      %dma_start3A = arith.constant 0 : i32
      %dma_start3A_51 = arith.constant 0 : i32
      %dma_start3A_52 = tpu.memref_slice %arg4[%run_scoped3A, %dma_start3A, %dma_start3A_51] : memref<2x8x2688xf32, #tpu.memory_space<vmem>> -> memref<1x8x2688xf32, #tpu.memory_space<vmem>>
      %dma_start3A_53 = tpu.memref_squeeze %dma_start3A_52 : memref<1x8x2688xf32, #tpu.memory_space<vmem>> -> memref<8x2688xf32, #tpu.memory_space<vmem>>
      %dma_start3A_54 = tpu.memref_slice %arg2[%mul3A_32, %mul3A_45] : memref<64x1000000xf32, #tpu.memory_space<hbm>> -> memref<8x2688xf32, #tpu.memory_space<hbm>>
      %dma_start3A_55 = arith.constant 0 : i32
      %dma_start3A_56 = arith.constant 0 : i32
      %dma_start3A_57 = tpu.memref_slice %arg4[%run_scoped3A, %dma_start3A_55, %dma_start3A_56] : memref<2x8x2688xf32, #tpu.memory_space<vmem>> -> memref<1x8x2688xf32, #tpu.memory_space<vmem>>
      %dma_start3A_58 = tpu.memref_squeeze %dma_start3A_57 : memref<1x8x2688xf32, #tpu.memory_space<vmem>> -> memref<8x2688xf32, #tpu.memory_space<vmem>>
      %dma_start3A_59 = tpu.memref_slice %arg2[%mul3A_32, %mul3A_45] : memref<64x1000000xf32, #tpu.memory_space<hbm>> -> memref<8x2688xf32, #tpu.memory_space<hbm>>
      tpu.enqueue_dma source(%dma_start3A_59 : memref<8x2688xf32, #tpu.memory_space<hbm>>) target(%dma_start3A_58 : memref<8x2688xf32, #tpu.memory_space<vmem>>) target_semaphore(%run_scoped3A_50 : memref<!tpu.dma_semaphore, #tpu.memory_space<semaphore_mem>>)
      %dma_wait3A = arith.constant 0 : i32
      %dma_wait3A_60 = arith.constant 0 : i32
      %dma_wait3A_61 = tpu.memref_slice %arg4[%run_scoped3A, %dma_wait3A, %dma_wait3A_60] : memref<2x8x2688xf32, #tpu.memory_space<vmem>> -> memref<1x8x2688xf32, #tpu.memory_space<vmem>>
      %dma_wait3A_62 = tpu.memref_squeeze %dma_wait3A_61 : memref<1x8x2688xf32, #tpu.memory_space<vmem>> -> memref<8x2688xf32, #tpu.memory_space<vmem>>
      %dma_wait3A_63 = tpu.memref_slice %arg2[%mul3A_32, %mul3A_45] : memref<64x1000000xf32, #tpu.memory_space<hbm>> -> memref<8x2688xf32, #tpu.memory_space<hbm>>
      %dma_wait3A_64 = arith.constant 0 : i32
      %dma_wait3A_65 = arith.constant 0 : i32
      %dma_wait3A_66 = tpu.memref_slice %arg4[%run_scoped3A, %dma_wait3A_64, %dma_wait3A_65] : memref<2x8x2688xf32, #tpu.memory_space<vmem>> -> memref<1x8x2688xf32, #tpu.memory_space<vmem>>
      %dma_wait3A_67 = tpu.memref_squeeze %dma_wait3A_66 : memref<1x8x2688xf32, #tpu.memory_space<vmem>> -> memref<8x2688xf32, #tpu.memory_space<vmem>>
      %dma_wait3A_68 = tpu.memref_slice %arg2[%mul3A_32, %mul3A_45] : memref<64x1000000xf32, #tpu.memory_space<hbm>> -> memref<8x2688xf32, #tpu.memory_space<hbm>>
      tpu.wait_dma2 semaphore(%run_scoped3A_50 : memref<!tpu.dma_semaphore, #tpu.memory_space<semaphore_mem>>) src(%dma_wait3A_68 : memref<8x2688xf32, #tpu.memory_space<hbm>>) dst(%dma_wait3A_67 : memref<8x2688xf32, #tpu.memory_space<vmem>>)
      tpu.yield
    }) : () -> ()
    %run_scoped3A_46 = arith.constant 0 : i32
    "tpu.region"() ({
      %run_scoped3A_50 = tpu.sem_alloc : memref<!tpu.dma_semaphore, #tpu.memory_space<semaphore_mem>>
      %dma_start3A = arith.constant 0 : i32
      %dma_start3A_51 = arith.constant 0 : i32
      %dma_start3A_52 = tpu.memref_slice %arg4[%run_scoped3A_46, %dma_start3A, %dma_start3A_51] : memref<2x8x2688xf32, #tpu.memory_space<vmem>> -> memref<1x8x2688xf32, #tpu.memory_space<vmem>>
      %dma_start3A_53 = tpu.memref_squeeze %dma_start3A_52 : memref<1x8x2688xf32, #tpu.memory_space<vmem>> -> memref<8x2688xf32, #tpu.memory_space<vmem>>
      %dma_start3A_54 = tpu.memref_slice %arg3[%mul3A_32, %mul3A_45] : memref<64x1000000xf32, #tpu.memory_space<hbm>> -> memref<8x2688xf32, #tpu.memory_space<hbm>>
      %dma_start3A_55 = tpu.memref_slice %arg3[%mul3A_32, %mul3A_45] : memref<64x1000000xf32, #tpu.memory_space<hbm>> -> memref<8x2688xf32, #tpu.memory_space<hbm>>
      %dma_start3A_56 = arith.constant 0 : i32
      %dma_start3A_57 = arith.constant 0 : i32
      %dma_start3A_58 = tpu.memref_slice %arg4[%run_scoped3A_46, %dma_start3A_56, %dma_start3A_57] : memref<2x8x2688xf32, #tpu.memory_space<vmem>> -> memref<1x8x2688xf32, #tpu.memory_space<vmem>>
      %dma_start3A_59 = tpu.memref_squeeze %dma_start3A_58 : memref<1x8x2688xf32, #tpu.memory_space<vmem>> -> memref<8x2688xf32, #tpu.memory_space<vmem>>
      tpu.enqueue_dma source(%dma_start3A_59 : memref<8x2688xf32, #tpu.memory_space<vmem>>) target(%dma_start3A_55 : memref<8x2688xf32, #tpu.memory_space<hbm>>) target_semaphore(%run_scoped3A_50 : memref<!tpu.dma_semaphore, #tpu.memory_space<semaphore_mem>>)
      %dma_wait3A = arith.constant 0 : i32
      %dma_wait3A_60 = arith.constant 0 : i32
      %dma_wait3A_61 = tpu.memref_slice %arg4[%run_scoped3A_46, %dma_wait3A, %dma_wait3A_60] : memref<2x8x2688xf32, #tpu.memory_space<vmem>> -> memref<1x8x2688xf32, #tpu.memory_space<vmem>>
      %dma_wait3A_62 = tpu.memref_squeeze %dma_wait3A_61 : memref<1x8x2688xf32, #tpu.memory_space<vmem>> -> memref<8x2688xf32, #tpu.memory_space<vmem>>
      %dma_wait3A_63 = tpu.memref_slice %arg3[%mul3A_32, %mul3A_45] : memref<64x1000000xf32, #tpu.memory_space<hbm>> -> memref<8x2688xf32, #tpu.memory_space<hbm>>
      %dma_wait3A_64 = tpu.memref_slice %arg3[%mul3A_32, %mul3A_45] : memref<64x1000000xf32, #tpu.memory_space<hbm>> -> memref<8x2688xf32, #tpu.memory_space<hbm>>
      %dma_wait3A_65 = arith.constant 0 : i32
      %dma_wait3A_66 = arith.constant 0 : i32
      %dma_wait3A_67 = tpu.memref_slice %arg4[%run_scoped3A_46, %dma_wait3A_65, %dma_wait3A_66] : memref<2x8x2688xf32, #tpu.memory_space<vmem>> -> memref<1x8x2688xf32, #tpu.memory_space<vmem>>
      %dma_wait3A_68 = tpu.memref_squeeze %dma_wait3A_67 : memref<1x8x2688xf32, #tpu.memory_space<vmem>> -> memref<8x2688xf32, #tpu.memory_space<vmem>>
      tpu.wait_dma2 semaphore(%run_scoped3A_50 : memref<!tpu.dma_semaphore, #tpu.memory_space<semaphore_mem>>) src(%dma_wait3A_68 : memref<8x2688xf32, #tpu.memory_space<vmem>>) dst(%dma_wait3A_64 : memref<8x2688xf32, #tpu.memory_space<hbm>>)
      tpu.yield
    }) : () -> ()
    %eq3A_47 = arith.constant 0 : i32
    %eq3A_48 = arith.cmpi eq, %select_n3A_30, %eq3A_47 : i32
    %convert_element_type3A = arith.extui %eq3A_48 : i1 to i32
    %cond3A = arith.constant 0 : i32
    %cond3A_49 = arith.cmpi ne, %convert_element_type3A, %cond3A : i32
    scf.if %cond3A_49 {
      "tpu.region"() ({
        %run_scoped3A_50 = tpu.sem_alloc : memref<!tpu.dma_semaphore, #tpu.memory_space<semaphore_mem>>
        %dma_start3A = arith.constant 999936 : i32
        %dma_start3A_51 = tpu.memref_slice %arg2[%mul3A_32, %dma_start3A] : memref<64x1000000xf32, #tpu.memory_space<hbm>> -> memref<8x64xf32, #tpu.memory_space<hbm>>
        %dma_start3A_52 = arith.constant 999936 : i32
        %dma_start3A_53 = tpu.memref_slice %arg2[%mul3A_32, %dma_start3A_52] : memref<64x1000000xf32, #tpu.memory_space<hbm>> -> memref<8x64xf32, #tpu.memory_space<hbm>>
        tpu.enqueue_dma source(%dma_start3A_53 : memref<8x64xf32, #tpu.memory_space<hbm>>) target(%arg6 : memref<8x64xf32, #tpu.memory_space<vmem>>) target_semaphore(%run_scoped3A_50 : memref<!tpu.dma_semaphore, #tpu.memory_space<semaphore_mem>>)
        %dma_wait3A = arith.constant 999936 : i32
        %dma_wait3A_54 = tpu.memref_slice %arg2[%mul3A_32, %dma_wait3A] : memref<64x1000000xf32, #tpu.memory_space<hbm>> -> memref<8x64xf32, #tpu.memory_space<hbm>>
        %dma_wait3A_55 = arith.constant 999936 : i32
        %dma_wait3A_56 = tpu.memref_slice %arg2[%mul3A_32, %dma_wait3A_55] : memref<64x1000000xf32, #tpu.memory_space<hbm>> -> memref<8x64xf32, #tpu.memory_space<hbm>>
        tpu.wait_dma2 semaphore(%run_scoped3A_50 : memref<!tpu.dma_semaphore, #tpu.memory_space<semaphore_mem>>) src(%dma_wait3A_56 : memref<8x64xf32, #tpu.memory_space<hbm>>) dst(%arg6 : memref<8x64xf32, #tpu.memory_space<vmem>>)
        tpu.yield
      }) : () -> ()
      "tpu.region"() ({
        %run_scoped3A_50 = tpu.sem_alloc : memref<!tpu.dma_semaphore, #tpu.memory_space<semaphore_mem>>
        %dma_start3A = arith.constant 999936 : i32
        %dma_start3A_51 = tpu.memref_slice %arg3[%mul3A_32, %dma_start3A] : memref<64x1000000xf32, #tpu.memory_space<hbm>> -> memref<8x64xf32, #tpu.memory_space<hbm>>
        %dma_start3A_52 = arith.constant 999936 : i32
        %dma_start3A_53 = tpu.memref_slice %arg3[%mul3A_32, %dma_start3A_52] : memref<64x1000000xf32, #tpu.memory_space<hbm>> -> memref<8x64xf32, #tpu.memory_space<hbm>>
        tpu.enqueue_dma source(%arg6 : memref<8x64xf32, #tpu.memory_space<vmem>>) target(%dma_start3A_53 : memref<8x64xf32, #tpu.memory_space<hbm>>) target_semaphore(%run_scoped3A_50 : memref<!tpu.dma_semaphore, #tpu.memory_space<semaphore_mem>>)
        %dma_wait3A = arith.constant 999936 : i32
        %dma_wait3A_54 = tpu.memref_slice %arg3[%mul3A_32, %dma_wait3A] : memref<64x1000000xf32, #tpu.memory_space<hbm>> -> memref<8x64xf32, #tpu.memory_space<hbm>>
        %dma_wait3A_55 = arith.constant 999936 : i32
        %dma_wait3A_56 = tpu.memref_slice %arg3[%mul3A_32, %dma_wait3A_55] : memref<64x1000000xf32, #tpu.memory_space<hbm>> -> memref<8x64xf32, #tpu.memory_space<hbm>>
        tpu.wait_dma2 semaphore(%run_scoped3A_50 : memref<!tpu.dma_semaphore, #tpu.memory_space<semaphore_mem>>) src(%arg6 : memref<8x64xf32, #tpu.memory_space<vmem>>) dst(%dma_wait3A_56 : memref<8x64xf32, #tpu.memory_space<hbm>>)
        tpu.yield
      }) : () -> ()
    } else {
    }
    return
  }
}

</mosaic_0001>

<sc_bundles>
// kernel: kernel.3.cloned.1.call-start
scs
__scs_entry_jumppad:
0x0: {  	(pc) =	sbr.rel $0x88, $3  }
0x1: {  	(tag) =	ssettag $0x0;
	lr =	simm.s32 $0x1  }
0x2: {  	[smem:$0x3FA0] =	sst lr;
	_ =	strace $0xD0000000  }
0x3: {  	_ = 	snop  }
0x4: {  	_ = 	snop  }
0x5: {  	_ = 	snop  }
0x6: {  	_ = 	snop  }
0x7: {  	_ = 	snop  }
__scs_overlays_trampoline_lowered:
0x8: {  	[smem:$0x3FAF] =	sst s0  }
0x9: {  	[smem:$0x3FB0] =	sst s1  }
0xa: {  	[smem:$0x3FB1] =	sst s2  }
0xb: {  	[smem:$0x3FB2] =	sst s3  }
0xc: {  	[smem:$0x3FB3] =	sst s4  }
0xd: {  	[smem:$0x3FB4] =	sst s5  }
0xe: {  	[smem:$0x3FB5] =	sst s6  }
0xf: {  	[smem:$0x3FB6] =	sst s7  }
0x10: {  	[smem:$0x3FB7] =	sst s8  }
0x11: {  	[smem:$0x3FB8] =	sst s9;
	s0 =	simm.s32 @!p0 $0x0  }
0x12: {  	s1 =	sld [smem:$0x3F9E];
	s0 =	simm.s32 @p0 $0x1  }
0x13: {  	[smem:$0x3FB9] =	sst s0;
	s0 =	simm.s32 @!p1 $0x0  }
0x14: {  	s2 =	sld [smem:$0x3F9D];
	s0 =	simm.s32 @p1 $0x1  }
0x15: {  	[smem:$0x3FBA] =	sst s0;
	s0 =	simm.s32 @!p2 $0x0  }
0x16: {  	s3 =	sld [smem:$0x3FDB];
	s0 =	simm.s32 @p2 $0x1  }
0x17: {  	s4 =	simm.s32 $0x1BF5;
	[smem:$0x3FBC] =	sst s0  }
0x18: {  	s0 =	sld [smem:$0x3F9F];
	_ =	swait.ge [sflag:s4], $0x0  }
0x19: {  	s7 =	sld [smem:$0x3FA0]  }
0x1a: {  	s8 =	sadd.s32 $0xFFFFE003, lr  }
0x1b: {  	s9 =	sadd.s32 $0xFFFFFEF7, lr;
	s5 =	simm.s32 $0xFFFFFFFF;
	p2 =	slt.u32 s8, $0xFFFFF086  }
0x1c: {  	p1 =	slt.u32 s9, $0xF7A;
	s5 =	simm.s32 @!p2 $0x0  }
0x1d: {  	s5 =	simm.s32 @p1 $0x1;
	p0 =	seq.s32 s7, s2  }
0x1e: {  	s7 =	smul.u32 @!p0 $0xF7A, s2;
	p2 =	seq.s32 @!p0 s5, $0x0  }
0x1f: {  	s9 =	smul.u32 $0xF7A, s1;
	s8 =	simm.s32 @!p0 $0x1BF5;
	p2 =	por !p2, p0  }
0x20: {  	[sflag:s8] =	ssyncset.s32 @!p0 $0xFFFFF086;
	s6 =	sadd.s32 @!p0 s3, s7;
	s7 =	simm.s32 @!p0 $0x108  }
0x21: {  	s3 =	sadd.s32 s3, s9;
	s6 =	sadd.s32 @!p0 $0x88, s6;
	s7 =	simm.s32 @p2 $0x1082  }
0x22: {  	[simem:s7], [sflag:s8] =	dma.local @!p0 [hbm:s6], $0xF7A  }
0x23: {  	s9 =	sor.u32 $0xD0000000, s2;
	s6 =	simm.s32 $0x108;
	_ =	swait.ge @!p0 [sflag:s8], $0x0  }
0x24: {  	s3 =	sadd.s32 $0x88, s3;
	s6 =	simm.s32 @!p1 $0x1082;
	[sflag:s4] =	ssyncset.s32 $0xFFFFF086  }
0x25: {  	[simem:s6], [sflag:s4] =	dma.local [hbm:s3], $0xF7A  }
0x26: {  	[smem:$0x3FA0] =	sst s1;
	(tag) =	ssettag s2;
	_ =	strace s9  }
0x27: {  	s1 =	sld [smem:$0x3FB0]  }
0x28: {  	s2 =	sld [smem:$0x3FB1]  }
0x29: {  	s4 =	sld [smem:$0x3FB3]  }
0x2a: {  	p0 =	seq.s32 s5, $0x0;
	s5 =	sld [smem:$0x3FB4]  }
0x2b: {  	s6 =	sld [smem:$0x3FB5]  }
0x2c: {  	s7 =	sld [smem:$0x3FB6]  }
0x2d: {  	s3 =	simm.s32 $0x108;
	s8 =	sld [smem:$0x3FB7]  }
0x2e: {  	s3 =	simm.s32 @!p0 $0x1082;
	s9 =	sld [smem:$0x3FB8]  }
0x2f: {  	lr =	sadd.s32 s0, s3;
	s0 =	sld [smem:$0x3FAF]  }
0x30: {  	s3 =	sld [smem:$0x3FB2]  }
0x31: {  	[smem:$0x3FBB] =	sst s10  }
0x32: {  	s10 =	sld [smem:$0x3FB9];
	_ =	sdelay $0x3  }
0x33: {  	p0 =	seq.s32 s10, $0x1;
	s10 =	sld [smem:$0x3FBB];
	_ =	sdelay $0x3  }
0x34: {  	[smem:$0x3FBB] =	sst s10  }
0x35: {  	s10 =	sld [smem:$0x3FBA];
	_ =	sdelay $0x3  }
0x36: {  	p1 =	seq.s32 s10, $0x1;
	s10 =	sld [smem:$0x3FBB];
	_ =	sdelay $0x3  }
0x37: {  	[smem:$0x3FBB] =	sst s10  }
0x38: {  	s10 =	sld [smem:$0x3FBC]  }
0x39: {  	_ = 	snop;
	(pc) =	sbr.ind lr, $3  }
0x3a: {  	_ = 	snop  }
0x3b: {  	_ = 	snop  }
0x3c: {  	p2 =	seq.s32 s10, $0x1;
	s10 =	sld [smem:$0x3FBB]  }
0x3d: {  	_ =	shalt  }
0x3e: {  	_ =	shalt  }
0x3f: {  	_ =	shalt  }
0x40: {  	_ =	shalt  }
0x41: {  	_ =	shalt  }
0x42: {  	_ =	shalt  }
0x43: {  	_ =	shalt  }
0x44: {  	_ =	shalt  }
0x45: {  	_ =	shalt  }
0x46: {  	_ =	shalt  }
0x47: {  	_ =	shalt  }
0x48: {  	_ =	shalt  }
0x49: {  	_ =	shalt  }
0x4a: {  	_ =	shalt  }
0x4b: {  	_ =	shalt  }
0x4c: {  	_ =	shalt  }
0x4d: {  	_ =	shalt  }
0x4e: {  	_ =	shalt  }
0x4f: {  	_ =	shalt  }
0x50: {  	_ =	shalt  }
0x51: {  	_ =	shalt  }
0x52: {  	_ =	shalt  }
0x53: {  	_ =	shalt  }
0x54: {  	_ =	shalt  }
0x55: {  	_ =	shalt  }
0x56: {  	_ =	shalt  }
0x57: {  	_ =	shalt  }
0x58: {  	_ =	shalt  }
0x59: {  	_ =	shalt  }
0x5a: {  	_ =	shalt  }
0x5b: {  	_ =	shalt  }
0x5c: {  	_ =	shalt  }
0x5d: {  	_ =	shalt  }
0x5e: {  	_ =	shalt  }
0x5f: {  	_ =	shalt  }
0x60: {  	_ =	shalt  }
0x61: {  	_ =	shalt  }
0x62: {  	_ =	shalt  }
0x63: {  	_ =	shalt  }
0x64: {  	_ =	shalt  }
0x65: {  	_ =	shalt  }
0x66: {  	_ =	shalt  }
0x67: {  	_ =	shalt  }
0x68: {  	_ =	shalt  }
0x69: {  	_ =	shalt  }
0x6a: {  	_ =	shalt  }
0x6b: {  	_ =	shalt  }
0x6c: {  	_ =	shalt  }
0x6d: {  	_ =	shalt  }
0x6e: {  	_ =	shalt  }
0x6f: {  	_ =	shalt  }
0x70: {  	_ =	shalt  }
0x71: {  	_ =	shalt  }
0x72: {  	_ =	shalt  }
0x73: {  	_ =	shalt  }
0x74: {  	_ =	shalt  }
0x75: {  	_ =	shalt  }
0x76: {  	_ =	shalt  }
0x77: {  	_ =	shalt  }
0x78: {  	_ =	shalt  }
0x79: {  	_ =	shalt  }
0x7a: {  	_ =	shalt  }
0x7b: {  	_ =	shalt  }
0x7c: {  	_ =	shalt  }
0x7d: {  	_ =	shalt  }
0x7e: {  	_ =	shalt  }
0x7f: {  	_ =	shalt  }
0x80: {  	_ =	shalt  }
0x81: {  	_ =	shalt  }
0x82: {  	_ =	shalt  }
0x83: {  	_ =	shalt  }
0x84: {  	_ =	shalt  }
0x85: {  	_ =	shalt  }
0x86: {  	_ =	shalt  }
0x87: {  	_ =	shalt  }
.Lfunc_end0:
.L_simem_size_0:
called_computation_lowered:
.L_overlay_start_0:
0x88: {  	s2 =	sld [smem:$0x3FD9]  }
0x89: {  	s3 =	sld [smem:$0x3FFE];
	_ =	sdelay $0x1  }
0x8a: {  	s1 =	srdreg.scid  }
0x8b: {  	s0 =	sand.u32 $0x1, s1  }
0x8c: {  	s18 =	sshll.u32 s0, $0xA;
	s2 =	sadd.s32 s3, s2  }
0x8d: {  	s2 =	sadd.s32 s2, s18  }
0x8e: {  	[smem:$0x3FC7] =	sst s2  }
0x8f: {  	_ = 	snop  }
0x90: {  	s2 =	sld [smem:$0x3FC9]  }
0x91: {  	s19 =	sld [smem:$0x3FD0];
	(tm) =	ssettm $0x1  }
0x92: {  	s4 =	sld [smem:$0x3FFB];
	_ =	sdelay $0x3  }
0x93: {  	_ =	strace s4  }
0x94: {  	s4 =	sld [smem:$0x3FFC];
	_ =	sdelay $0x3  }
0x95: {  	_ =	strace s4  }
0x96: {  	s4 =	sld [smem:$0x3FFD];
	_ =	sdelay $0x3  }
0x97: {  	_ =	strace s4  }
0x98: {  	_ =	strace $0x8FFFFFFF  }
0x99: {  	s20 =	sld [smem:$0x3FDB];
	_ =	sdelay $0x1  }
0x9a: {  	s5 =	simm.s32 $_scs_section_size  }
0x9b: {  	s6 =	simm.s32 $_size__tile_overlayer_lowered;
	s7 =	simm.s32 $_tile_overlayer_lowered  }
0x9c: {  	s23 =	simm.s32 $0x1BFF;
	s22 =	sshll.u32 s7, $0x1;
	s4 =	sadd.s32 s5, s20  }
0x9d: {  	s8 =	simm.s32 $0x0;
	s21 =	sshll.u32 s6, $0x1;
	s6 =	sadd.s32 s22, s4  }
0x9e: {  	[timem:s8], [sflag:s23] =	dma.local [hbm:s6], s21  }
0x9f: {  	_ =	swait.ge [sflag:s23], s21  }
0xa0: {  	s5 =	ssub.s32 $0x0, s21;
	[sflag:s23] =	ssyncset.done $0x0  }
0xa1: {  	[sflag:s23] =	ssyncadd.s32 s5;
	_ =	sdelay $0x1  }
0xa2: {  	s24 =	simm.s32 $0x1B8B  }
0xa3: {  	_ =	swait.ge [sflag:s24], $0x1  }
0xa4: {  	[sflag:s24] =	ssyncset.done $0x0  }
0xa5: {  	s25 =	simm.s32 $0x1B8E;
	[sflag:s24] =	ssyncadd.s32 $0xFFFFFFFF  }
0xa6: {  	s26 =	simm.s32 $execute0_lowered;
	[smem:$0x3FD2] =	sst s25  }
0xa7: {  	s5 =	sshll.u32 s26, $0x1;
	_ =	strace $0x80000046;
	[dreg:$0x1] =	wrdreg $0xFFFFFFFF  }
0xa8: {  	s28 =	simm.s32 $_size_execute0_lowered;
	s4 =	sadd.s32 s4, s5;
	[dreg:$0x0] =	wrdreg $0x0  }
0xa9: {  	s5 =	sshll.u32 s28, $0x1;
	[dreg:$0x2] =	wrdreg s4  }
0xaa: {  	[dreg:$0x3] =	wrdreg s5  }
0xab: {  	[dreg:$0x4] =	wrdreg $0xC0  }
0xac: {  	_ =	task [dreg:s8], $0x5FFFF  }
0xad: {  	[dreg:$0x1] =	wrdreg $0xFFFFFFFF  }
0xae: {  	[dreg:$0x0] =	wrdreg $0x60  }
0xaf: {  	[dreg:$0x2] =	wrdreg s2  }
0xb0: {  	[dreg:$0x3] =	wrdreg s19  }
0xb1: {  	[dreg:$0x4] =	wrdreg $0xA8000  }
0xb2: {  	[dreg:$0x5] =	wrdreg $0x9  }
0xb3: {  	_ =	task.clear_ibuf [dreg:s8], $0x6FFFF;
	_ =	strace $0x90000046  }
0xb4: {  	s29 =	simm.s32 $0x9;
	_ =	strace $0x80000048  }
0xb5: {  	_ =	swait.ge [sflag:s29], $0x1  }
0xb6: {  	[sflag:s29] =	ssyncadd.s32 $0xFFFFFFFF  }
0xb7: {  	_ =	strace $0x90000048  }
0xb8: {  	_ =	sfence  }
0xb9: {  	s30 =	sld [smem:$0x0];
	_ =	sdelay $0x2  }
0xba: {  	s31 =	sshll.u32 s1, $0xD;
	s1 =	sshrl.u32 s1, $0x2  }
0xbb: {  	s3 =	sand.u32 $0x4000, s31;
	s1 =	sadd.s32 s1, s30  }
0xbc: {  	s0 =	sor.u32 s3, s0;
	s1 =	sshll.u32 s1, $0x11  }
0xbd: {  	s0 =	sor.u32 s1, s0  }
0xbe: {  	s0 =	sadd.s32 $0x8F2B, s0  }
0xbf: {  	[sflag:s0] =	ssyncadd.remote.s32 $0x1  }
0xc0: {  	_ =	sfence.sel $0xFFFF  }
0xc1: {  	[dreg:$0x0] =	wrdreg $0xFFFFFFFF;
	(pc) =	sbr.abs _section_cstart, $3  }
0xc2: {  	[dreg:$0x1] =	wrdreg $0xFFFFFFFF  }
0xc3: {  	_ =	task.clear_ibuf [dreg:s8], $0x2FFFF;
	_ =	strace $0x9FFFFFFF  }
0xc4: {  	(tm) =	ssettm $0x7FFFFFFF  }
0xc5: {  	_ =	shalt  }
tec
execute0_lowered:
.L_overlay_start_1:
0x0: {  	(tag) =	ssettag $0x1  }
0x1: {  	s2 =	rddreg [dreg:$0x0]  }
0x2: {  	s0 =	rddreg [dreg:$0x1]  }
0x3: {  	s4 =	rddreg [dreg:$0x2]  }
0x4: {  	s1 =	stileid.u32;
	s3 =	srdreg.scid  }
0x5: {  	s5 =	sshll.u32 s1, $0x1;
	s7 =	sshrl.u32 s1, $0x1;
	s11 =	smul.u32 $0x2A000, s1  }
0x6: {  	s6 =	sand.u32 $0x1, s3;
	s16 =	sand.u32 $0x1, s1;
	s7 =	smul.u32 $0x7A1400, s7  }
0x7: {  	s3 =	simm.s32 $0x0;
	s5 =	sand.u32 $0x2, s5;
	s17 =	smul.u32 $0xA800, s16  }
0x8: {  	[smem:$0x7FF] =	sst s3;
	s8 =	ssub.s32 $0x2, s6;
	s19 =	smul.u32 $0x5400, s6  }
0x9: {  	s16 =	simm.s32 $0x5;
	s5 =	sor.u32 s6, s5;
	_ =	strace $0x80000047  }
0xa: {  	s10 =	sshrl.u32 s8, $0x1;
	s11 =	sshrl.u32 s11, $0x2;
	s9 =	smul.u32 $0x5400, s5  }
0xb: {  	s10 =	ssub.s32 s8, s10;
	s4 =	sadd.s32 s11, s4;
	s13 =	sshrl.u32 s7, $0x3  }
0xc: {  	p0 =	sne.s32 s5, $0x0;
	s22 =	sadd.s32 $0xF4200, s13;
	s26 =	smax.u32 s10, $0x1  }
0xd: {  	s13 =	sshll.u32 s1, $0x6;
	s15 =	sadd.s32 s7, s9;
	s7 =	sadd.s32 s17, s7  }
0xe: {  	s24 =	sadd.s32 s2, s22;
	s25 =	sadd.s32 s0, s22;
	[dreg:$0xb] =	wrdreg s26  }
0xf: {  	s31 =	sor.u32 $0x1C03, s13;
	s17 =	simm.s32 $0x7;
	[dreg:$0x9] =	wrdreg s24  }
0x10: {  	s12 =	sshrl.u32 s15, $0x3;
	s23 =	sadd.s32 s19, s7;
	[dreg:$0xa] =	wrdreg s25  }
0x11: {  	[dreg:$0xe] =	wrdreg s31;
	s15 =	sshrl.u32 s4, $0x3;
	s19 =	simm.s32 $0x8  }
0x12: {  	s18 =	sadd.s32 $0xF1800, s12;
	s11 =	sadd.s32 $0x3F000, s23;
	s28 =	sadd.s32 s2, s12  }
0x13: {  	s14 =	sadd.s32 $0x15000, s23;
	s20 =	sadd.s32 s2, s18;
	[dreg:$0xc] =	wrdreg s28  }
0x14: {  	s30 =	sshrl.u32 s23, $0x3;
	s21 =	sadd.s32 s0, s18;
	[dreg:$0x7] =	wrdreg s20  }
0x15: {  	s11 =	sshrl.u32 s11, $0x3;
	s6 =	sadd.s32 $0x2A00, s28;
	[dreg:$0x8] =	wrdreg s21  }
0x16: {  	s29 =	sshrl.u32 s14, $0x3;
	s11 =	sadd.s32 s11, s2;
	[dreg:$0xd] =	wrdreg s6  }
0x17: {  	s18 =	simm.s32 $0x6;
	s12 =	sadd.s32 s29, s0;
	[dreg:$0x4] =	wrdreg s11  }
0x18: {  	s0 =	sadd.s32 s30, s0;
	s20 =	simm.s32 $0x9;
	[dreg:$0x6] =	wrdreg s12  }
0x19: {  	s21 =	simm.s32 $0x0;
	s12 =	sadd.s32 $0x2A000, s23;
	[dreg:$0x5] =	wrdreg s0  }
.LBB2_1:
0x1a: {  	s0 =	rddreg [dreg:$0xc]  }
0x1b: {  	s9 =	rddreg [dreg:$0xd]  }
0x1c: {  	s5 =	rddreg [dreg:$0xe];
	p1 =	por $0x0, $0x0;
	s10 =	simm.s32 $0x1  }
0x1d: {  	[tilespmem:s3], [sflag:$0x1] =	stream.linear.gather [hbm4b:s0+s3], $0x5400, $0x38;
	[tilespmem:$0x15400] =	vst v63  }
0x1e: {  	s29 =	simm.s32 $0x0;
	p2 =	por @!p1 $0x1, $0x1;
	s0 =	sand.u32 $0x1, s10  }
0x1f: {  	s22 =	sshll.u32 @!p1 s1, $0x6;
	s25 =	simm.s32 @!p1 $0x0;
	s6 =	sand.u32 $0x1, s29  }
0x20: {  	[spmem:s15], [sflag:s5] =	dma.local [hbm:s9], $0xA80  }
0x21: {  	p2 =	por p2, p1;
	s22 =	sor.u32 @!p1 s22, s0;
	s24 =	smul.u32 @!p1 $0x5400, s0  }
0x22: {  	s29 =	sadd.s32 $0x1, s6;
	s30 =	sor.u32 s13, s6;
	s5 =	sadd.s32 @!p2 $0x5, s0  }
0x23: {  	s14 =	sadd.s32 $0x5, s6;
	s31 =	smul.u32 $0x5400, s6;
	_ =	swait.ge @!p2 [sflag:s5], $0x5400  }
0x24: {  	s22 =	sadd.s32 @!p1 $0x1C03, s22;
	s23 =	sadd.s32 @!p2 $0x7, s0;
	[sflag:s5] =	ssyncset.done @!p2 $0x0  }
0x25: {  	s0 =	sadd.s32 @!p1 $0x1, s0;
	s28 =	sadd.s32 @!p1 s24, s4;
	[sflag:s5] =	ssyncadd.s32 @!p2 $0xFFFFAC00  }
0x26: {  	s28 =	sshrl.u32 @!p1 s28, $0x3;
	s5 =	sshrl.u32 @!p1 s12, $0x3;
	_ =	swait.ge @!p2 [sflag:s23], $0xA80  }
0x27: {  	s5 =	sadd.s32 @!p1 s2, s5;
	s26 =	rddreg [dreg:$0x4];
	[sflag:s23] =	ssyncset.done @!p2 $0x0  }
0x28: {  	[sflag:s23] =	ssyncadd.s32 @!p2 $0xFFFFF580;
	s23 =	sadd.s32 @!p1 $0x0, s26;
	s26 =	simm.s32 $0xA800  }
0x29: {  	[tilespmem:s24], [sflag:s0] =	stream.linear.gather @!p1 [hbm4b:s5+s25], $0x5400, $0x38;
	[tilespmem:$0x15400] =	vst v63  }
0x2a: {  	[spmem:s28], [sflag:s22] =	dma.local @!p1 [hbm:s23], $0xA80  }
0x2b: {  	s24 =	simm.s32 $0x2;
	s25 =	sadd.s32 $0x2A000, s12;
	s22 =	simm.s32 $0x5400  }
0x2c: {  	s23 =	sand.u32 $0x1, s24;
	p1 =	por $0x0, $0x0;
	_ =	swait.ge [sflag:s29], $0x5400  }
0x2d: {  	s28 =	simm.s32 $0x0;
	s11 =	rddreg [dreg:$0x5];
	[sflag:s29] =	ssyncset.done $0x0  }
0x2e: {  	p2 =	por @!p1 $0x0, $0x0;
	[sflag:s29] =	ssyncadd.s32 $0xFFFFAC00;
	s0 =	sadd.s32 $0x0, s11  }
0x2f: {  	[hbm4b:s0+s3] =	stream.linear.scatter [tilespmem:s31], [sflag:s14], $0x5400, $0x38;
	[tilespmem:$0x15400] =	vst v63  }
0x30: {  	s5 =	sshll.u32 @!p1 s1, $0x6;
	s29 =	simm.s32 $0x3;
	s0 =	sadd.s32 $0x3, s6  }
.LBB2_2:
0x31: {  	s6 =	sand.u32 $0x1, s29;
	p2 =	por p2, p1;
	_ =	swait.ge [sflag:s0], $0xA80  }
0x32: {  	s7 =	smov.u32 s26;
	s5 =	sor.u32 @!p1 s5, s23;
	s31 =	sadd.s32 s31, s4  }
0x33: {  	s30 =	sadd.s32 $0x1C07, s30;
	s26 =	sadd.s32 $0x5400, s26;
	s24 =	sadd.s32 $0xFFFFFFFF, s24  }
0x34: {  	s8 =	sadd.s32 @!p2 $0x5, s23;
	s9 =	rddreg [dreg:$0x6];
	[sflag:s0] =	ssyncset.done $0x0  }
0x35: {  	s5 =	sadd.s32 @!p1 $0x1C03, s5;
	s14 =	sshrl.u32 s31, $0x3;
	s31 =	smul.u32 @!p1 $0x5400, s23  }
0x36: {  	p3 =	sne.s32 s26, $0xF1800;
	s10 =	sand.u32 $0x1, s24;
	s24 =	smov.u32 s29  }
0x37: {  	s29 =	sadd.s32 $0x1, s29;
	[sflag:s0] =	ssyncadd.s32 $0xFFFFF580;
	s9 =	sadd.s32 s28, s9  }
0x38: {  	[hbm:s9], [sflag:s30] =	dma.local [spmem:s14], $0xA80  }
0x39: {  	s28 =	smov.u32 s22;
	s0 =	sshrl.u32 @!p1 s25, $0x3;
	_ =	swait.ge @!p2 [sflag:s8], $0x5400  }
0x3a: {  	s22 =	sadd.s32 @!p2 $0x7, s23;
	s25 =	sadd.s32 $0x2A000, s25;
	[sflag:s8] =	ssyncset.done @!p2 $0x0  }
0x3b: {  	s9 =	simm.s32 @!p1 $0x0;
	s0 =	sadd.s32 @!p1 s2, s0;
	[sflag:s8] =	ssyncadd.s32 @!p2 $0xFFFFAC00  }
0x3c: {  	s14 =	sadd.s32 $0x1, s10;
	s30 =	sor.u32 s13, s10;
	_ =	swait.ge @!p2 [sflag:s22], $0xA80  }
0x3d: {  	s8 =	sadd.s32 @!p1 $0x1, s23;
	s23 =	smov.u32 s6;
	[sflag:s22] =	ssyncset.done @!p2 $0x0  }
0x3e: {  	s6 =	sadd.s32 @!p1 s31, s4;
	s11 =	rddreg [dreg:$0x4];
	[sflag:s22] =	ssyncadd.s32 @!p2 $0xFFFFF580  }
0x3f: {  	[tilespmem:s31], [sflag:s8] =	stream.linear.gather @!p1 [hbm4b:s0+s9], $0x5400, $0x38;
	[tilespmem:$0x15400] =	vst v63  }
0x40: {  	s6 =	sshrl.u32 @!p1 s6, $0x3;
	s11 =	sadd.s32 @!p1 s28, s11;
	s31 =	smul.u32 $0x5400, s10  }
0x41: {  	[spmem:s6], [sflag:s5] =	dma.local @!p1 [hbm:s11], $0xA80  }
.Ltmp0:
0x42: {  	s22 =	smov.u32 s7;
	s9 =	sadd.s32 $0x5, s10;
	(pc) =	sbr.rel @p3 .LBB2_2-.Ltmp0, $4  }
0x43: {  	s0 =	sadd.s32 $0x3, s10;
	p1 =	seq.s32 s22, $0xEC400;
	_ =	swait.ge [sflag:s14], $0x5400  }
0x44: {  	p2 =	slt.u32 @!p1 s24, $0x2;
	[sflag:s14] =	ssyncset.done $0x0;
	s11 =	rddreg [dreg:$0x5]  }
0x45: {  	s5 =	sshll.u32 @!p1 s1, $0x6;
	[sflag:s14] =	ssyncadd.s32 $0xFFFFAC00;
	s7 =	sadd.s32 s28, s11  }
0x46: {  	[hbm4b:s7+s3] =	stream.linear.scatter [tilespmem:s31], [sflag:s9], $0x5400, $0x38;
	[tilespmem:$0x15400] =	vst v63  }
0x47: {  	_ =	swait.ge [sflag:s0], $0xA80  }
0x48: {  	p2 =	por p2, p1;
	s8 =	sadd.s32 s31, s4;
	s9 =	sadd.s32 $0x1C07, s30  }
0x49: {  	s14 =	sadd.s32 $0xFFFFFFFF, s24;
	s6 =	rddreg [dreg:$0x6];
	s7 =	sadd.s32 @!p2 $0x5, s23  }
0x4a: {  	[sflag:s0] =	ssyncset.done $0x0;
	s30 =	sshrl.u32 s8, $0x3;
	s8 =	simm.s32 @!p1 $0x0  }
0x4b: {  	s14 =	sand.u32 $0x1, s14;
	[sflag:s0] =	ssyncadd.s32 $0xFFFFF580;
	s6 =	sadd.s32 s28, s6  }
0x4c: {  	[hbm:s6], [sflag:s9] =	dma.local [spmem:s30], $0xA80  }
0x4d: {  	s0 =	sor.u32 @!p1 s5, s23;
	s5 =	sadd.s32 @!p2 $0x7, s23;
	_ =	swait.ge @!p2 [sflag:s7], $0x5400  }
0x4e: {  	s31 =	sadd.s32 $0x1, s14;
	s0 =	sadd.s32 @!p1 $0x1C03, s0;
	[sflag:s7] =	ssyncset.done @!p2 $0x0  }
0x4f: {  	s6 =	sshrl.u32 @!p1 s25, $0x3;
	[sflag:s7] =	ssyncadd.s32 @!p2 $0xFFFFAC00;
	s7 =	smul.u32 @!p1 $0x5400, s23  }
0x50: {  	s9 =	sadd.s32 @!p1 $0x1, s23;
	s6 =	sadd.s32 @!p1 s2, s6;
	_ =	swait.ge @!p2 [sflag:s5], $0xA80  }
0x51: {  	s10 =	rddreg [dreg:$0x4];
	s11 =	sadd.s32 @!p1 s7, s4;
	[sflag:s5] =	ssyncset.done @!p2 $0x0  }
0x52: {  	s11 =	sshrl.u32 @!p1 s11, $0x3;
	[sflag:s5] =	ssyncadd.s32 @!p2 $0xFFFFF580;
	s10 =	sadd.s32 @!p1 s22, s10  }
0x53: {  	[tilespmem:s7], [sflag:s9] =	stream.linear.gather @!p1 [hbm4b:s6+s8], $0x5400, $0x38;
	[tilespmem:$0x15400] =	vst v63  }
0x54: {  	[spmem:s11], [sflag:s0] =	dma.local @!p1 [hbm:s10], $0xA80  }
0x55: {  	s24 =	sadd.s32 $0x3, s14;
	_ =	swait.ge [sflag:s31], $0x5400  }
0x56: {  	s23 =	smul.u32 $0x5400, s14;
	s10 =	rddreg [dreg:$0x5];
	[sflag:s31] =	ssyncset.done $0x0  }
0x57: {  	s11 =	sadd.s32 $0x5, s14;
	[sflag:s31] =	ssyncadd.s32 $0xFFFFAC00;
	s0 =	sadd.s32 s22, s10  }
0x58: {  	[hbm4b:s0+s3] =	stream.linear.scatter [tilespmem:s23], [sflag:s11], $0x5400, $0x38;
	[tilespmem:$0x15400] =	vst v63  }
0x59: {  	s26 =	sor.u32 s13, s14;
	s7 =	sadd.s32 s23, s4;
	_ =	swait.ge [sflag:s24], $0xA80  }
0x5a: {  	s6 =	sadd.s32 $0x1C07, s26;
	s25 =	rddreg [dreg:$0x6];
	[sflag:s24] =	ssyncset.done $0x0  }
0x5b: {  	s28 =	sshrl.u32 s7, $0x3;
	[sflag:s24] =	ssyncadd.s32 $0xFFFFF580;
	s0 =	sadd.s32 s22, s25  }
0x5c: {  	[hbm:s0], [sflag:s6] =	dma.local [spmem:s28], $0xA80  }
0x5d: {  	_ =	swait.ge [sflag:s16], $0x5400  }
0x5e: {  	[sflag:s16] =	ssyncset.done $0x0  }
0x5f: {  	[sflag:s16] =	ssyncadd.s32 $0xFFFFAC00  }
0x60: {  	_ =	swait.ge [sflag:s17], $0xA80  }
0x61: {  	[sflag:s17] =	ssyncset.done $0x0  }
0x62: {  	[sflag:s17] =	ssyncadd.s32 $0xFFFFF580  }
0x63: {  	_ =	swait.ge [sflag:s18], $0x5400  }
0x64: {  	[sflag:s18] =	ssyncset.done $0x0  }
0x65: {  	[sflag:s18] =	ssyncadd.s32 $0xFFFFAC00  }
0x66: {  	_ =	swait.ge [sflag:s19], $0xA80  }
0x67: {  	[sflag:s19] =	ssyncset.done $0x0  }
0x68: {  	s29 =	rddreg [dreg:$0x7];
	[sflag:s19] =	ssyncadd.s32 $0xFFFFF580  }
0x69: {  	[tilespmem:s3], [sflag:$0x9] =	stream.linear.gather [hbm4b:s29+s3], $0x5400, $0x38;
	[tilespmem:$0x15400] =	vst v63  }
0x6a: {  	_ =	swait.ge [sflag:s20], $0x5400  }
0x6b: {  	[sflag:s20] =	ssyncset.done $0x0  }
0x6c: {  	s30 =	rddreg [dreg:$0x8];
	[sflag:s20] =	ssyncadd.s32 $0xFFFFAC00  }
0x6d: {  	[hbm4b:s30+s3] =	stream.linear.scatter [tilespmem:s3], [sflag:$0x9], $0x5400, $0x38;
	[tilespmem:$0x15400] =	vst v63  }
0x6e: {  	_ =	swait.ge [sflag:s20], $0x5400  }
0x6f: {  	s5 =	simm.s32 @!p0 $0x15000;
	[sflag:s20] =	ssyncset.done $0x0  }
0x70: {  	s0 =	simm.s32 @!p0 $0x0;
	s6 =	rddreg [dreg:$0x9];
	[sflag:s20] =	ssyncadd.s32 $0xFFFFAC00  }
0x71: {  	[tilespmem:s5], [sflag:$0x9] =	stream.linear.gather @!p0 [hbm4b:s6+s0], $0x400, $0x38;
	[tilespmem:$0x15400] =	vst v63  }
0x72: {  	s6 =	simm.s32 @!p0 $0x9  }
0x73: {  	_ =	swait.ge @!p0 [sflag:s6], $0x400  }
0x74: {  	[sflag:s6] =	ssyncset.done @!p0 $0x0  }
0x75: {  	s7 =	rddreg [dreg:$0xa];
	[sflag:s6] =	ssyncadd.s32 @!p0 $0xFFFFFC00  }
0x76: {  	[hbm4b:s7+s0] =	stream.linear.scatter @!p0 [tilespmem:s5], [sflag:$0x9], $0x400, $0x38;
	[tilespmem:$0x15400] =	vst v63  }
0x77: {  	_ =	swait.ge @!p0 [sflag:s6], $0x400  }
0x78: {  	s21 =	sadd.s32 $0x1, s21;
	s31 =	rddreg [dreg:$0xb]  }
0x79: {  	p1 =	sne.s32 s21, s31  }
.Ltmp1:
0x7a: {  	_ = 	snop;
	(pc) =	sbr.rel @p1 .LBB2_1-.Ltmp1, $3  }
0x7b: {  	_ =	sdelay $0x1  }
0x7c: {  	[sflag:s6] =	ssyncset.done @!p0 $0x0  }
0x7d: {  	[sflag:s6] =	ssyncadd.s32 @!p0 $0xFFFFFC00  }
0x7e: {  	_ =	sfence.sel $0x180000  }
0x7f: {  	[bflag:$0x0] =	sbarrier.arrive $0xFFFF  }
0x80: {  	_ =	strace $0x90000047  }
0x81: {  	[bflag:$0x2] =	sbarrier.arrive $0xFFFF  }
0x82: {  	p0 =	sne.s32 s1, $0x0;
	s0 =	rddreg [dreg:$0x3]  }
0x83: {  	s0 =	sadd.s32 @!p0 $0x100000, s0  }
0x84: {  	[sflag:s0] =	ssyncadd.tile.s32 @!p0 $0x1;
	_ =	shalt  }
.Lfunc_end2:
_tile_overlayer_lowered:
.L_overlay_start_2:
0x85: {  	(tag) =	ssettag $0x2  }
0x86: {  	s0 =	rddreg [dreg:$0x0];
	s2 =	stileid.u32  }
0x87: {  	s1 =	rddreg [dreg:$0x1];
	p0 =	sne.s32 s2, $0x0  }
0x88: {  	s3 =	rddreg [dreg:$0x2];
	[bflag:$0x3] =	sbarrier.arrive $0xFFFF;
	s2 =	simm.s32 @!p0 $0x1C09  }
0x89: {  	[timem:s3], [sflag:s2] =	dma.local @!p0 [hbm:s0], s1  }
0x8a: {  	s0 =	simm.s32 @!p0 $0x9  }
0x8b: {  	_ =	swait.ge @!p0 [sflag:s0], s1  }
0x8c: {  	s1 =	ssub.s32 @!p0 $0x0, s1;
	[sflag:s0] =	ssyncset.done @!p0 $0x0  }
0x8d: {  	[sflag:s0] =	ssyncadd.s32 @!p0 s1  }
0x8e: {  	[bflag:$0x3] =	sbarrier.arrive $0xFFFF  }
0x8f: {  	_ =	shalt  }

</sc_bundles>
